<compile_context>
chip_gen: v7x
topology: tpu7x:2x2x1
jax: 0.10.2.dev20260603
libtpu: 0.0.44.dev20260713+nightly
codegen_flags: <defaults>
</compile_context>

<pallas_src>
import functools

import jax
import jax.numpy as jnp
from jax import lax
from jax.experimental import pallas as pl
from jax.experimental.pallas import tpu as pltpu
from jax.experimental.pallas import tpu_sc as plsc

_NC, _NS, _L = 2, 16, 16
_NW = _NC * _NS


def _make_hist(n_edges, n_bins):
    chunk = n_edges // _NW
    per_w = 2 * chunk
    assert chunk * _NW == n_edges and chunk % 8 == 0 and per_w % _L == 0
    assert n_bins % _L == 0
    mesh = plsc.VectorSubcoreMesh(
        core_axis_name="c", subcore_axis_name="s", num_cores=_NC, num_subcores=_NS
    )

    @functools.partial(
        pl.kernel,
        out_type=jax.ShapeDtypeStruct((_NW, n_bins), jnp.float32),
        mesh=mesh,
        scratch_types=[
            pltpu.VMEM((per_w,), jnp.int32),
            pltpu.VMEM((n_bins,), jnp.float32),
            pltpu.SemaphoreType.DMA,
        ],
        compiler_params=pltpu.CompilerParams(needs_layout_passes=False),
    )
    def hist_kernel(edge_hbm, out_hbm, idx_v, hist_v, sem):
        wid = lax.axis_index("s") * _NC + lax.axis_index("c")
        base = wid * chunk
        cp_h = pltpu.make_async_copy(
            edge_hbm.at[pl.ds(base, chunk)], idx_v.at[pl.ds(0, chunk)], sem
        )
        cp_t = pltpu.make_async_copy(
            edge_hbm.at[pl.ds(2 * n_edges + base, chunk)],
            idx_v.at[pl.ds(chunk, chunk)],
            sem,
        )
        cp_h.start()
        cp_t.start()

        zeros = jnp.zeros((_L,), jnp.float32)

        def zero_body(i, _):
            hist_v[pl.ds(i * _L, _L)] = zeros
            return 0

        lax.fori_loop(0, n_bins // _L, zero_body, 0, unroll=8)

        cp_h.wait()
        cp_t.wait()

        ones = jnp.ones((_L,), jnp.float32)

        def add_body(i, _):
            idx = idx_v[pl.ds(i * _L, _L)]
            plsc.addupdate_scatter(hist_v, [idx], ones)
            return 0

        lax.fori_loop(0, per_w // _L, add_body, 0, unroll=8)

        pltpu.sync_copy(hist_v, out_hbm.at[wid])

    return hist_kernel


_ROW_BLK = 1000


def _epilogue(partials4, w_t, b_row):
    nblk = partials4.shape[1]
    blk = partials4.shape[3]
    out_f = w_t.shape[1]
    n_bins = nblk * blk

    def body(p_ref, wt_ref, b_ref, o_ref):
        v = jnp.sum(wt_ref[...], axis=0, keepdims=True) + b_ref[...]
        vb = jnp.broadcast_to(v, (_NW, out_f))
        p = p_ref[...].reshape(_NW, blk)
        o = lax.dot_general(
            p,
            vb,
            (((0,), (0,)), ((), ())),
            preferred_element_type=jnp.float32,
            precision=lax.Precision.HIGHEST,
        )
        o_ref[...] = jnp.maximum(o, 0.0)

    return pl.pallas_call(
        body,
        grid=(nblk,),
        in_specs=[
            pl.BlockSpec((_NW, 1, 1, blk), lambda i: (0, i, 0, 0)),
            pl.BlockSpec(w_t.shape, lambda i: (0, 0)),
            pl.BlockSpec((1, out_f), lambda i: (0, 0)),
        ],
        out_specs=pl.BlockSpec((_ROW_BLK, out_f), lambda i: (i, 0)),
        out_shape=jax.ShapeDtypeStruct((n_bins, out_f), jnp.float32),
    )(partials4, w_t, b_row)


def kernel(local_entity, edge_list, W, b):
    bs, m = local_entity.shape
    n_bins = bs * m
    n_edges = edge_list.shape[1]
    partials = _make_hist(n_edges, n_bins)(edge_list.reshape(-1))
    partials4 = partials.reshape(_NW, n_bins // _ROW_BLK, 1, _ROW_BLK)
    out = _epilogue(partials4, W.T, b.reshape(1, -1))
    return out.reshape(bs, m, W.shape[1])

# --- scband reference (transcript-rebuilt; emitter-appended) ---
"""Pipeline reference for scband-type-layer-9234179687646 (READ-ONLY COPY).

The authoritative reference and input builder live on the scoring server;
editing this copy changes nothing except your own understanding.
"""

import jax, jax.numpy as jnp
import numpy as np

B, M, E = 20, 500, 160000
IN_F, OUT_F = 256, 256


def setup_inputs(seed: int = 0) -> dict:
    key = jax.random.key(seed)
    k1, k2, k3, k4 = jax.random.split(key, 4)
    local_entity = jax.random.randint(k1, (B, M), 0, 100000, dtype=jnp.int32)
    # edge_list rows: [batch_heads, batch_rels, batch_tails, batch_ids, fact_ids, weight_list]
    # head/tail entries index into the flattened (B*M) entity space.
    edge_list = jax.random.randint(k2, (6, E), 0, B * M, dtype=jnp.int32)
    W = jax.random.normal(k3, (OUT_F, IN_F), dtype=jnp.float32) * 0.02
    b = jax.random.normal(k4, (OUT_F,), dtype=jnp.float32) * 0.02
    return {"local_entity": local_entity, "edge_list": edge_list, "W": W, "b": b}


def reference(local_entity, edge_list, W, b):
    batch_heads = edge_list[0]
    batch_rels = edge_list[1]
    batch_tails = edge_list[2]
    fact_ids = edge_list[4]
    num_fact = fact_ids.shape[0]
    bs, max_local_entity = local_entity.shape
    hidden_size = W.shape[1]  # in_features
    out_f = W.shape[0]
    # fact_rel = ones(num_rels, hidden); fact_val = Linear(in,out)(fact_rel)
    fact_rel = jnp.ones((batch_rels.shape[0], hidden_size), dtype=jnp.float32)
    fact_val = fact_rel @ W.T + b
    # sparse.mm(fact2tail_mat, fact_val): scatter-add fact_val rows into flattened entity rows
    agg_tail = jnp.zeros((bs * max_local_entity, out_f), dtype=jnp.float32).at[batch_tails].add(fact_val[fact_ids])
    agg_head = jnp.zeros((bs * max_local_entity, out_f), dtype=jnp.float32).at[batch_heads].add(fact_val[fact_ids])
    f2e_emb = jax.nn.relu(agg_tail + agg_head)
    return f2e_emb.reshape(bs, max_local_entity, hidden_size)

if __name__ == "__main__":
    import jax
    _d = setup_inputs()
    print(jax.jit(kernel)(*tuple(_d.values())))

</pallas_src>

<mosaic_0001>
#map = affine_map<(d0, d1) -> (0)>
#map1 = affine_map<(d0, d1) -> (0, 0)>
module attributes {stable_mosaic.version = 14 : i64} {
  func.func @hist_kernel(%arg0: i32, %arg1: i32, %arg2: memref<960000xi32, #tpu.memory_space<hbm>>, %arg3: memref<32x10000xf32, #tpu.memory_space<hbm>>, %arg4: memref<10000xi32, #tpu.memory_space<vmem>>, %arg5: memref<10000xf32, #tpu.memory_space<vmem>>, %arg6: memref<!tpu.dma_semaphore, #tpu.memory_space<semaphore_mem>>) attributes {dimension_semantics = [#tpu.dimension_semantics<core_parallel>, #tpu.dimension_semantics<subcore_parallel>], iteration_bounds = array<i64: 2, 16>, scalar_prefetch = 0 : i64, scratch_operands = 3 : i64, tpu.core_type = #tpu.core_type<sc_vector_subcore>, window_params = [{transform_indices = #map}, {transform_indices = #map1}]} {
    %mul3A = arith.constant 2 : i32
    %mul3A_0 = arith.muli %arg1, %mul3A : i32
    %add3A = arith.addi %mul3A_0, %arg0 : i32
    %mul3A_1 = arith.constant 5000 : i32
    %mul3A_2 = arith.muli %add3A, %mul3A_1 : i32
    %add3A_3 = arith.constant 320000 : i32
    %add3A_4 = arith.addi %add3A_3, %mul3A_2 : i32
    %dma_start3A = arith.constant 0 : i32
    %dma_start3A_5 = tpu.memref_slice %arg4[%dma_start3A] : memref<10000xi32, #tpu.memory_space<vmem>> -> memref<5000xi32, #tpu.memory_space<vmem>>
    %dma_start3A_6 = tpu.memref_slice %arg2[%mul3A_2] : memref<960000xi32, #tpu.memory_space<hbm>> -> memref<5000xi32, #tpu.memory_space<hbm>>
    %dma_start3A_7 = arith.constant 0 : i32
    %dma_start3A_8 = tpu.memref_slice %arg4[%dma_start3A_7] : memref<10000xi32, #tpu.memory_space<vmem>> -> memref<5000xi32, #tpu.memory_space<vmem>>
    %dma_start3A_9 = tpu.memref_slice %arg2[%mul3A_2] : memref<960000xi32, #tpu.memory_space<hbm>> -> memref<5000xi32, #tpu.memory_space<hbm>>
    tpu.enqueue_dma source(%dma_start3A_9 : memref<5000xi32, #tpu.memory_space<hbm>>) target(%dma_start3A_8 : memref<5000xi32, #tpu.memory_space<vmem>>) target_semaphore(%arg6 : memref<!tpu.dma_semaphore, #tpu.memory_space<semaphore_mem>>)
    %dma_start3A_10 = arith.constant 5000 : i32
    %dma_start3A_11 = tpu.memref_slice %arg4[%dma_start3A_10] : memref<10000xi32, #tpu.memory_space<vmem>> -> memref<5000xi32, #tpu.memory_space<vmem>>
    %dma_start3A_12 = tpu.memref_slice %arg2[%add3A_4] : memref<960000xi32, #tpu.memory_space<hbm>> -> memref<5000xi32, #tpu.memory_space<hbm>>
    %dma_start3A_13 = arith.constant 5000 : i32
    %dma_start3A_14 = tpu.memref_slice %arg4[%dma_start3A_13] : memref<10000xi32, #tpu.memory_space<vmem>> -> memref<5000xi32, #tpu.memory_space<vmem>>
    %dma_start3A_15 = tpu.memref_slice %arg2[%add3A_4] : memref<960000xi32, #tpu.memory_space<hbm>> -> memref<5000xi32, #tpu.memory_space<hbm>>
    tpu.enqueue_dma source(%dma_start3A_15 : memref<5000xi32, #tpu.memory_space<hbm>>) target(%dma_start3A_14 : memref<5000xi32, #tpu.memory_space<vmem>>) target_semaphore(%arg6 : memref<!tpu.dma_semaphore, #tpu.memory_space<semaphore_mem>>)
    %broadcast_in_dim3A = arith.constant 0.000000e+00 : f32
    %broadcast_in_dim3A_16 = vector.broadcast %broadcast_in_dim3A : f32 to vector<16xf32>
    %scan3A = arith.constant 0 : i32
    %scan3A_17 = arith.constant 0 : i32
    %scan3A_18 = arith.constant 624 : i32
    %scan3A_19 = arith.addi %scan3A_17, %scan3A_18 : i32
    %scan3A_20 = arith.constant 8 : i32
    %scan3A_21 = scf.for %scan3A_55 = %scan3A_17 to %scan3A_19 step %scan3A_20 iter_args(%scan3A_56 = %scan3A) -> (i32)  : i32 {
      %mul3A_57 = arith.constant 16 : i32
      %mul3A_58 = arith.muli %scan3A_55, %mul3A_57 : i32
      %swap3A_59 = arith.index_cast %mul3A_58 : i32 to index
      %swap3A_60 = tpu.vector_load %arg5[%swap3A_59] {strides = array<i32>} : memref<10000xf32, #tpu.memory_space<vmem>>, vector<16xf32>,
      tpu.vector_store %arg5[%swap3A_59], %broadcast_in_dim3A_16 {strides = array<i32>} : memref<10000xf32, #tpu.memory_space<vmem>>, vector<16xf32>,
      %scan3A_61 = arith.constant 0 : i32
      %scan3A_62 = arith.constant 1 : i32
      %scan3A_63 = arith.addi %scan3A_55, %scan3A_62 : i32
      %mul3A_64 = arith.constant 16 : i32
      %mul3A_65 = arith.muli %scan3A_63, %mul3A_64 : i32
      %swap3A_66 = arith.index_cast %mul3A_65 : i32 to index
      %swap3A_67 = tpu.vector_load %arg5[%swap3A_66] {strides = array<i32>} : memref<10000xf32, #tpu.memory_space<vmem>>, vector<16xf32>,
      tpu.vector_store %arg5[%swap3A_66], %broadcast_in_dim3A_16 {strides = array<i32>} : memref<10000xf32, #tpu.memory_space<vmem>>, vector<16xf32>,
      %scan3A_68 = arith.constant 0 : i32
      %scan3A_69 = arith.constant 2 : i32
      %scan3A_70 = arith.addi %scan3A_55, %scan3A_69 : i32
      %mul3A_71 = arith.constant 16 : i32
      %mul3A_72 = arith.muli %scan3A_70, %mul3A_71 : i32
      %swap3A_73 = arith.index_cast %mul3A_72 : i32 to index
      %swap3A_74 = tpu.vector_load %arg5[%swap3A_73] {strides = array<i32>} : memref<10000xf32, #tpu.memory_space<vmem>>, vector<16xf32>,
      tpu.vector_store %arg5[%swap3A_73], %broadcast_in_dim3A_16 {strides = array<i32>} : memref<10000xf32, #tpu.memory_space<vmem>>, vector<16xf32>,
      %scan3A_75 = arith.constant 0 : i32
      %scan3A_76 = arith.constant 3 : i32
      %scan3A_77 = arith.addi %scan3A_55, %scan3A_76 : i32
      %mul3A_78 = arith.constant 16 : i32
      %mul3A_79 = arith.muli %scan3A_77, %mul3A_78 : i32
      %swap3A_80 = arith.index_cast %mul3A_79 : i32 to index
      %swap3A_81 = tpu.vector_load %arg5[%swap3A_80] {strides = array<i32>} : memref<10000xf32, #tpu.memory_space<vmem>>, vector<16xf32>,
      tpu.vector_store %arg5[%swap3A_80], %broadcast_in_dim3A_16 {strides = array<i32>} : memref<10000xf32, #tpu.memory_space<vmem>>, vector<16xf32>,
      %scan3A_82 = arith.constant 0 : i32
      %scan3A_83 = arith.constant 4 : i32
      %scan3A_84 = arith.addi %scan3A_55, %scan3A_83 : i32
      %mul3A_85 = arith.constant 16 : i32
      %mul3A_86 = arith.muli %scan3A_84, %mul3A_85 : i32
      %swap3A_87 = arith.index_cast %mul3A_86 : i32 to index
      %swap3A_88 = tpu.vector_load %arg5[%swap3A_87] {strides = array<i32>} : memref<10000xf32, #tpu.memory_space<vmem>>, vector<16xf32>,
      tpu.vector_store %arg5[%swap3A_87], %broadcast_in_dim3A_16 {strides = array<i32>} : memref<10000xf32, #tpu.memory_space<vmem>>, vector<16xf32>,
      %scan3A_89 = arith.constant 0 : i32
      %scan3A_90 = arith.constant 5 : i32
      %scan3A_91 = arith.addi %scan3A_55, %scan3A_90 : i32
      %mul3A_92 = arith.constant 16 : i32
      %mul3A_93 = arith.muli %scan3A_91, %mul3A_92 : i32
      %swap3A_94 = arith.index_cast %mul3A_93 : i32 to index
      %swap3A_95 = tpu.vector_load %arg5[%swap3A_94] {strides = array<i32>} : memref<10000xf32, #tpu.memory_space<vmem>>, vector<16xf32>,
      tpu.vector_store %arg5[%swap3A_94], %broadcast_in_dim3A_16 {strides = array<i32>} : memref<10000xf32, #tpu.memory_space<vmem>>, vector<16xf32>,
      %scan3A_96 = arith.constant 0 : i32
      %scan3A_97 = arith.constant 6 : i32
      %scan3A_98 = arith.addi %scan3A_55, %scan3A_97 : i32
      %mul3A_99 = arith.constant 16 : i32
      %mul3A_100 = arith.muli %scan3A_98, %mul3A_99 : i32
      %swap3A_101 = arith.index_cast %mul3A_100 : i32 to index
      %swap3A_102 = tpu.vector_load %arg5[%swap3A_101] {strides = array<i32>} : memref<10000xf32, #tpu.memory_space<vmem>>, vector<16xf32>,
      tpu.vector_store %arg5[%swap3A_101], %broadcast_in_dim3A_16 {strides = array<i32>} : memref<10000xf32, #tpu.memory_space<vmem>>, vector<16xf32>,
      %scan3A_103 = arith.constant 0 : i32
      %scan3A_104 = arith.constant 7 : i32
      %scan3A_105 = arith.addi %scan3A_55, %scan3A_104 : i32
      %mul3A_106 = arith.constant 16 : i32
      %mul3A_107 = arith.muli %scan3A_105, %mul3A_106 : i32
      %swap3A_108 = arith.index_cast %mul3A_107 : i32 to index
      %swap3A_109 = tpu.vector_load %arg5[%swap3A_108] {strides = array<i32>} : memref<10000xf32, #tpu.memory_space<vmem>>, vector<16xf32>,
      tpu.vector_store %arg5[%swap3A_108], %broadcast_in_dim3A_16 {strides = array<i32>} : memref<10000xf32, #tpu.memory_space<vmem>>, vector<16xf32>,
      %scan3A_110 = arith.constant 0 : i32
      scf.yield %scan3A_110 : i32
    }
    %scan3A_22 = arith.constant 624 : i32
    %scan3A_23 = arith.addi %scan3A_17, %scan3A_22 : i32
    %mul3A_24 = arith.constant 16 : i32
    %mul3A_25 = arith.muli %scan3A_23, %mul3A_24 : i32
    %swap3A = arith.index_cast %mul3A_25 : i32 to index
    %swap3A_26 = tpu.vector_load %arg5[%swap3A] {strides = array<i32>} : memref<10000xf32, #tpu.memory_space<vmem>>, vector<16xf32>,
    tpu.vector_store %arg5[%swap3A], %broadcast_in_dim3A_16 {strides = array<i32>} : memref<10000xf32, #tpu.memory_space<vmem>>, vector<16xf32>,
    %scan3A_27 = arith.constant 0 : i32
    %scan3A_28 = arith.constant 625 : i32
    %dma_wait3A = arith.constant 0 : i32
    %dma_wait3A_29 = tpu.memref_slice %arg4[%dma_wait3A] : memref<10000xi32, #tpu.memory_space<vmem>> -> memref<5000xi32, #tpu.memory_space<vmem>>
    %dma_wait3A_30 = tpu.memref_slice %arg2[%mul3A_2] : memref<960000xi32, #tpu.memory_space<hbm>> -> memref<5000xi32, #tpu.memory_space<hbm>>
    %dma_wait3A_31 = arith.constant 0 : i32
    %dma_wait3A_32 = tpu.memref_slice %arg4[%dma_wait3A_31] : memref<10000xi32, #tpu.memory_space<vmem>> -> memref<5000xi32, #tpu.memory_space<vmem>>
    %dma_wait3A_33 = tpu.memref_slice %arg2[%mul3A_2] : memref<960000xi32, #tpu.memory_space<hbm>> -> memref<5000xi32, #tpu.memory_space<hbm>>
    tpu.wait_dma2 semaphore(%arg6 : memref<!tpu.dma_semaphore, #tpu.memory_space<semaphore_mem>>) src(%dma_wait3A_33 : memref<5000xi32, #tpu.memory_space<hbm>>) dst(%dma_wait3A_32 : memref<5000xi32, #tpu.memory_space<vmem>>)
    %dma_wait3A_34 = arith.constant 5000 : i32
    %dma_wait3A_35 = tpu.memref_slice %arg4[%dma_wait3A_34] : memref<10000xi32, #tpu.memory_space<vmem>> -> memref<5000xi32, #tpu.memory_space<vmem>>
    %dma_wait3A_36 = tpu.memref_slice %arg2[%add3A_4] : memref<960000xi32, #tpu.memory_space<hbm>> -> memref<5000xi32, #tpu.memory_space<hbm>>
    %dma_wait3A_37 = arith.constant 5000 : i32
    %dma_wait3A_38 = tpu.memref_slice %arg4[%dma_wait3A_37] : memref<10000xi32, #tpu.memory_space<vmem>> -> memref<5000xi32, #tpu.memory_space<vmem>>
    %dma_wait3A_39 = tpu.memref_slice %arg2[%add3A_4] : memref<960000xi32, #tpu.memory_space<hbm>> -> memref<5000xi32, #tpu.memory_space<hbm>>
    tpu.wait_dma2 semaphore(%arg6 : memref<!tpu.dma_semaphore, #tpu.memory_space<semaphore_mem>>) src(%dma_wait3A_39 : memref<5000xi32, #tpu.memory_space<hbm>>) dst(%dma_wait3A_38 : memref<5000xi32, #tpu.memory_space<vmem>>)
    %broadcast_in_dim3A_40 = arith.constant 1.000000e+00 : f32
    %broadcast_in_dim3A_41 = vector.broadcast %broadcast_in_dim3A_40 : f32 to vector<16xf32>
    %scan3A_42 = arith.constant 0 : i32
    %scan3A_43 = arith.constant 0 : i32
    %scan3A_44 = arith.constant 624 : i32
    %scan3A_45 = arith.addi %scan3A_43, %scan3A_44 : i32
    %scan3A_46 = arith.constant 8 : i32
    %scan3A_47 = scf.for %scan3A_55 = %scan3A_43 to %scan3A_45 step %scan3A_46 iter_args(%scan3A_56 = %scan3A_42) -> (i32)  : i32 {
      %mul3A_57 = arith.constant 16 : i32
      %mul3A_58 = arith.muli %scan3A_55, %mul3A_57 : i32
      %get3A_59 = arith.index_cast %mul3A_58 : i32 to index
      %get3A_60 = tpu.vector_load %arg4[%get3A_59] {strides = array<i32>} : memref<10000xi32, #tpu.memory_space<vmem>>, vector<16xi32>,
      tpu.vector_store_idx %arg5[%get3A_60], %broadcast_in_dim3A_41 {add = true} : memref<10000xf32, #tpu.memory_space<vmem>>[vector<16xi32>], vector<16xf32>,
      %scan3A_61 = arith.constant 0 : i32
      %scan3A_62 = arith.constant 1 : i32
      %scan3A_63 = arith.addi %scan3A_55, %scan3A_62 : i32
      %mul3A_64 = arith.constant 16 : i32
      %mul3A_65 = arith.muli %scan3A_63, %mul3A_64 : i32
      %get3A_66 = arith.index_cast %mul3A_65 : i32 to index
      %get3A_67 = tpu.vector_load %arg4[%get3A_66] {strides = array<i32>} : memref<10000xi32, #tpu.memory_space<vmem>>, vector<16xi32>,
      tpu.vector_store_idx %arg5[%get3A_67], %broadcast_in_dim3A_41 {add = true} : memref<10000xf32, #tpu.memory_space<vmem>>[vector<16xi32>], vector<16xf32>,
      %scan3A_68 = arith.constant 0 : i32
      %scan3A_69 = arith.constant 2 : i32
      %scan3A_70 = arith.addi %scan3A_55, %scan3A_69 : i32
      %mul3A_71 = arith.constant 16 : i32
      %mul3A_72 = arith.muli %scan3A_70, %mul3A_71 : i32
      %get3A_73 = arith.index_cast %mul3A_72 : i32 to index
      %get3A_74 = tpu.vector_load %arg4[%get3A_73] {strides = array<i32>} : memref<10000xi32, #tpu.memory_space<vmem>>, vector<16xi32>,
      tpu.vector_store_idx %arg5[%get3A_74], %broadcast_in_dim3A_41 {add = true} : memref<10000xf32, #tpu.memory_space<vmem>>[vector<16xi32>], vector<16xf32>,
      %scan3A_75 = arith.constant 0 : i32
      %scan3A_76 = arith.constant 3 : i32
      %scan3A_77 = arith.addi %scan3A_55, %scan3A_76 : i32
      %mul3A_78 = arith.constant 16 : i32
      %mul3A_79 = arith.muli %scan3A_77, %mul3A_78 : i32
      %get3A_80 = arith.index_cast %mul3A_79 : i32 to index
      %get3A_81 = tpu.vector_load %arg4[%get3A_80] {strides = array<i32>} : memref<10000xi32, #tpu.memory_space<vmem>>, vector<16xi32>,
      tpu.vector_store_idx %arg5[%get3A_81], %broadcast_in_dim3A_41 {add = true} : memref<10000xf32, #tpu.memory_space<vmem>>[vector<16xi32>], vector<16xf32>,
      %scan3A_82 = arith.constant 0 : i32
      %scan3A_83 = arith.constant 4 : i32
      %scan3A_84 = arith.addi %scan3A_55, %scan3A_83 : i32
      %mul3A_85 = arith.constant 16 : i32
      %mul3A_86 = arith.muli %scan3A_84, %mul3A_85 : i32
      %get3A_87 = arith.index_cast %mul3A_86 : i32 to index
      %get3A_88 = tpu.vector_load %arg4[%get3A_87] {strides = array<i32>} : memref<10000xi32, #tpu.memory_space<vmem>>, vector<16xi32>,
      tpu.vector_store_idx %arg5[%get3A_88], %broadcast_in_dim3A_41 {add = true} : memref<10000xf32, #tpu.memory_space<vmem>>[vector<16xi32>], vector<16xf32>,
      %scan3A_89 = arith.constant 0 : i32
      %scan3A_90 = arith.constant 5 : i32
      %scan3A_91 = arith.addi %scan3A_55, %scan3A_90 : i32
      %mul3A_92 = arith.constant 16 : i32
      %mul3A_93 = arith.muli %scan3A_91, %mul3A_92 : i32
      %get3A_94 = arith.index_cast %mul3A_93 : i32 to index
      %get3A_95 = tpu.vector_load %arg4[%get3A_94] {strides = array<i32>} : memref<10000xi32, #tpu.memory_space<vmem>>, vector<16xi32>,
      tpu.vector_store_idx %arg5[%get3A_95], %broadcast_in_dim3A_41 {add = true} : memref<10000xf32, #tpu.memory_space<vmem>>[vector<16xi32>], vector<16xf32>,
      %scan3A_96 = arith.constant 0 : i32
      %scan3A_97 = arith.constant 6 : i32
      %scan3A_98 = arith.addi %scan3A_55, %scan3A_97 : i32
      %mul3A_99 = arith.constant 16 : i32
      %mul3A_100 = arith.muli %scan3A_98, %mul3A_99 : i32
      %get3A_101 = arith.index_cast %mul3A_100 : i32 to index
      %get3A_102 = tpu.vector_load %arg4[%get3A_101] {strides = array<i32>} : memref<10000xi32, #tpu.memory_space<vmem>>, vector<16xi32>,
      tpu.vector_store_idx %arg5[%get3A_102], %broadcast_in_dim3A_41 {add = true} : memref<10000xf32, #tpu.memory_space<vmem>>[vector<16xi32>], vector<16xf32>,
      %scan3A_103 = arith.constant 0 : i32
      %scan3A_104 = arith.constant 7 : i32
      %scan3A_105 = arith.addi %scan3A_55, %scan3A_104 : i32
      %mul3A_106 = arith.constant 16 : i32
      %mul3A_107 = arith.muli %scan3A_105, %mul3A_106 : i32
      %get3A_108 = arith.index_cast %mul3A_107 : i32 to index
      %get3A_109 = tpu.vector_load %arg4[%get3A_108] {strides = array<i32>} : memref<10000xi32, #tpu.memory_space<vmem>>, vector<16xi32>,
      tpu.vector_store_idx %arg5[%get3A_109], %broadcast_in_dim3A_41 {add = true} : memref<10000xf32, #tpu.memory_space<vmem>>[vector<16xi32>], vector<16xf32>,
      %scan3A_110 = arith.constant 0 : i32
      scf.yield %scan3A_110 : i32
    }
    %scan3A_48 = arith.constant 624 : i32
    %scan3A_49 = arith.addi %scan3A_43, %scan3A_48 : i32
    %mul3A_50 = arith.constant 16 : i32
    %mul3A_51 = arith.muli %scan3A_49, %mul3A_50 : i32
    %get3A = arith.index_cast %mul3A_51 : i32 to index
    %get3A_52 = tpu.vector_load %arg4[%get3A] {strides = array<i32>} : memref<10000xi32, #tpu.memory_space<vmem>>, vector<16xi32>,
    tpu.vector_store_idx %arg5[%get3A_52], %broadcast_in_dim3A_41 {add = true} : memref<10000xf32, #tpu.memory_space<vmem>>[vector<16xi32>], vector<16xf32>,
    %scan3A_53 = arith.constant 0 : i32
    %scan3A_54 = arith.constant 625 : i32
    "tpu.region"() ({
      %run_scoped3A = tpu.sem_alloc : memref<!tpu.dma_semaphore, #tpu.memory_space<semaphore_mem>>
      %dma_start3A_55 = arith.constant 0 : i32
      %dma_start3A_56 = tpu.memref_slice %arg3[%add3A, %dma_start3A_55] : memref<32x10000xf32, #tpu.memory_space<hbm>> -> memref<1x10000xf32, #tpu.memory_space<hbm>>
      %dma_start3A_57 = tpu.memref_squeeze %dma_start3A_56 : memref<1x10000xf32, #tpu.memory_space<hbm>> -> memref<10000xf32, #tpu.memory_space<hbm>>
      %dma_start3A_58 = arith.constant 0 : i32
      %dma_start3A_59 = tpu.memref_slice %arg3[%add3A, %dma_start3A_58] : memref<32x10000xf32, #tpu.memory_space<hbm>> -> memref<1x10000xf32, #tpu.memory_space<hbm>>
      %dma_start3A_60 = tpu.memref_squeeze %dma_start3A_59 : memref<1x10000xf32, #tpu.memory_space<hbm>> -> memref<10000xf32, #tpu.memory_space<hbm>>
      tpu.enqueue_dma source(%arg5 : memref<10000xf32, #tpu.memory_space<vmem>>) target(%dma_start3A_60 : memref<10000xf32, #tpu.memory_space<hbm>>) target_semaphore(%run_scoped3A : memref<!tpu.dma_semaphore, #tpu.memory_space<semaphore_mem>>)
      %dma_wait3A_61 = arith.constant 0 : i32
      %dma_wait3A_62 = tpu.memref_slice %arg3[%add3A, %dma_wait3A_61] : memref<32x10000xf32, #tpu.memory_space<hbm>> -> memref<1x10000xf32, #tpu.memory_space<hbm>>
      %dma_wait3A_63 = tpu.memref_squeeze %dma_wait3A_62 : memref<1x10000xf32, #tpu.memory_space<hbm>> -> memref<10000xf32, #tpu.memory_space<hbm>>
      %dma_wait3A_64 = arith.constant 0 : i32
      %dma_wait3A_65 = tpu.memref_slice %arg3[%add3A, %dma_wait3A_64] : memref<32x10000xf32, #tpu.memory_space<hbm>> -> memref<1x10000xf32, #tpu.memory_space<hbm>>
      %dma_wait3A_66 = tpu.memref_squeeze %dma_wait3A_65 : memref<1x10000xf32, #tpu.memory_space<hbm>> -> memref<10000xf32, #tpu.memory_space<hbm>>
      tpu.wait_dma2 semaphore(%run_scoped3A : memref<!tpu.dma_semaphore, #tpu.memory_space<semaphore_mem>>) src(%arg5 : memref<10000xf32, #tpu.memory_space<vmem>>) dst(%dma_wait3A_66 : memref<10000xf32, #tpu.memory_space<hbm>>)
      tpu.yield
    }) : () -> ()
    return
  }
}

module attributes {stable_mosaic.version = 14 : i64} {
  func.func @body(%arg0: i32, %arg1: memref<32x1x1x1000xf32, #tpu.memory_space<vmem>>, %arg2: memref<256x256xf32, #tpu.memory_space<vmem>>, %arg3: memref<1x256xf32, #tpu.memory_space<vmem>>, %arg4: memref<1000x256xf32, #tpu.memory_space<vmem>>) attributes {dimension_semantics = [#tpu.dimension_semantics<arbitrary>], iteration_bounds = array<i64: 10>, scalar_prefetch = 0 : i64, scratch_operands = 0 : i64, tpu.core_type = #tpu.core_type<tc>, window_params = [{transform_indices = @transform_0, window_bounds = array<i64: 32, 1, 1, 1000>}, {pipeline_mode = #tpu.pipeline_mode<synchronous>, transform_indices = @transform_1, window_bounds = array<i64: 256, 256>}, {pipeline_mode = #tpu.pipeline_mode<synchronous>, transform_indices = @transform_2, window_bounds = array<i64: 1, 256>}, {transform_indices = @transform_3, window_bounds = array<i64: 1000, 256>}]} {
    %get3A = arith.constant 0 : index
    %get3A_0 = arith.constant 0 : index
    %get3A_1 = vector.load %arg2[%get3A, %get3A_0] : memref<256x256xf32, #tpu.memory_space<vmem>>, vector<256x256xf32>
    %reduce_sum3A = arith.constant dense<0.000000e+00> : vector<256xf32>
    %reduce_sum3A_2 = vector.multi_reduction <add>, %get3A_1, %reduce_sum3A [0] : vector<256x256xf32> to vector<256xf32>
    %broadcast_in_dim3A = vector.shape_cast %reduce_sum3A_2 : vector<256xf32> to vector<1x256xf32>
    %get3A_3 = arith.constant 0 : index
    %get3A_4 = arith.constant 0 : index
    %get3A_5 = vector.load %arg3[%get3A_3, %get3A_4] : memref<1x256xf32, #tpu.memory_space<vmem>>, vector<1x256xf32>
    %add3A = arith.addf %broadcast_in_dim3A, %get3A_5 : vector<1x256xf32>
    %broadcast_in_dim3A_6 = vector.shape_cast %add3A : vector<1x256xf32> to vector<1x256xf32>
    %broadcast_in_dim3A_7 = vector.broadcast %broadcast_in_dim3A_6 : vector<1x256xf32> to vector<32x256xf32>
    %get3A_8 = arith.constant 0 : index
    %get3A_9 = arith.constant 0 : index
    %get3A_10 = arith.constant 0 : index
    %get3A_11 = arith.constant 0 : index
    %get3A_12 = vector.load %arg1[%get3A_8, %get3A_9, %get3A_10, %get3A_11] : memref<32x1x1x1000xf32, #tpu.memory_space<vmem>>, vector<32x1x1x1000xf32>
    %reshape3A = vector.shape_cast %get3A_12 : vector<32x1x1x1000xf32> to vector<32x1000xf32>
    %dot_general3A = arith.constant dense<0.000000e+00> : vector<1000x256xf32>
    %dot_general3A_13 = tpu.matmul %reshape3A, %broadcast_in_dim3A_7, %dot_general3A {dimension_numbers = #tpu.dot_dimension_numbers<[0], [0], [1], [1], [0, 1, 1, 1], [], []>, precision = #tpu.contract_precision<fp32>, transpose_lhs_hint = false} : vector<32x1000xf32>, vector<32x256xf32>, vector<1000x256xf32> -> vector<1000x256xf32>
    %max3A = arith.constant 0.000000e+00 : f32
    %max3A_14 = vector.broadcast %max3A : f32 to vector<1000x256xf32>
    %max3A_15 = arith.maximumf %dot_general3A_13, %max3A_14 : vector<1000x256xf32>
    %swap3A = arith.constant 0 : index
    %swap3A_16 = arith.constant 0 : index
    %swap3A_17 = vector.load %arg4[%swap3A, %swap3A_16] : memref<1000x256xf32, #tpu.memory_space<vmem>>, vector<1000x256xf32>
    tpu.vector_store %arg4[%swap3A, %swap3A_16], %max3A_15 {strides = array<i32>} : memref<1000x256xf32, #tpu.memory_space<vmem>>, vector<1000x256xf32>,
    return
  }
  func.func @transform_0(%arg0: i32) -> (i32, i32, i32, i32) {
    %c0_i32 = arith.constant 0 : i32
    %c0_i32_0 = arith.constant 0 : i32
    %c0_i32_1 = arith.constant 0 : i32
    %c0_i32_2 = arith.constant 0 : i32
    return %c0_i32, %arg0, %c0_i32_0, %c0_i32_1 : i32, i32, i32, i32
  }
  func.func @transform_1(%arg0: i32) -> (i32, i32) {
    %c0_i32 = arith.constant 0 : i32
    %c0_i32_0 = arith.constant 0 : i32
    %c0_i32_1 = arith.constant 0 : i32
    return %c0_i32, %c0_i32_0 : i32, i32
  }
  func.func @transform_2(%arg0: i32) -> (i32, i32) {
    %c0_i32 = arith.constant 0 : i32
    %c0_i32_0 = arith.constant 0 : i32
    %c0_i32_1 = arith.constant 0 : i32
    return %c0_i32, %c0_i32_0 : i32, i32
  }
  func.func @transform_3(%arg0: i32) -> (i32, i32) {
    %c0_i32 = arith.constant 0 : i32
    %c0_i32_0 = arith.constant 0 : i32
    return %arg0, %c0_i32 : i32, i32
  }
}

</mosaic_0001>

<sc_bundles>
// kernel: kernel.4.cloned.1.call-start
scs
__scs_entry_jumppad:
0x0: {  	(pc) =	sbr.rel $0x88, $3  }
0x1: {  	(tag) =	ssettag $0x0;
	lr =	simm.s32 $0x1  }
0x2: {  	[smem:$0x3F9E] =	sst lr;
	_ =	strace $0xD0000000  }
0x3: {  	_ = 	snop  }
0x4: {  	_ = 	snop  }
0x5: {  	_ = 	snop  }
0x6: {  	_ = 	snop  }
0x7: {  	_ = 	snop  }
__scs_overlays_trampoline_lowered:
0x8: {  	[smem:$0x3FAD] =	sst s0  }
0x9: {  	[smem:$0x3FAE] =	sst s1  }
0xa: {  	[smem:$0x3FAF] =	sst s2  }
0xb: {  	[smem:$0x3FB0] =	sst s3  }
0xc: {  	[smem:$0x3FB1] =	sst s4  }
0xd: {  	[smem:$0x3FB2] =	sst s5  }
0xe: {  	[smem:$0x3FB3] =	sst s6  }
0xf: {  	[smem:$0x3FB4] =	sst s7  }
0x10: {  	[smem:$0x3FB5] =	sst s8  }
0x11: {  	[smem:$0x3FB6] =	sst s9;
	s0 =	simm.s32 @!p0 $0x0  }
0x12: {  	s1 =	sld [smem:$0x3F9C];
	s0 =	simm.s32 @p0 $0x1  }
0x13: {  	[smem:$0x3FB7] =	sst s0;
	s0 =	simm.s32 @!p1 $0x0  }
0x14: {  	s2 =	sld [smem:$0x3F9B];
	s0 =	simm.s32 @p1 $0x1  }
0x15: {  	[smem:$0x3FB8] =	sst s0;
	s0 =	simm.s32 @!p2 $0x0  }
0x16: {  	s3 =	sld [smem:$0x3FDB];
	s0 =	simm.s32 @p2 $0x1  }
0x17: {  	s4 =	simm.s32 $0x1BF5;
	[smem:$0x3FBA] =	sst s0  }
0x18: {  	s0 =	sld [smem:$0x3F9D];
	_ =	swait.ge [sflag:s4], $0x0  }
0x19: {  	s7 =	sld [smem:$0x3F9E]  }
0x1a: {  	s8 =	sadd.s32 $0xFFFFE003, lr  }
0x1b: {  	s9 =	sadd.s32 $0xFFFFFEF7, lr;
	s5 =	simm.s32 $0xFFFFFFFF;
	p2 =	slt.u32 s8, $0xFFFFF086  }
0x1c: {  	p1 =	slt.u32 s9, $0xF7A;
	s5 =	simm.s32 @!p2 $0x0  }
0x1d: {  	s5 =	simm.s32 @p1 $0x1;
	p0 =	seq.s32 s7, s2  }
0x1e: {  	s7 =	smul.u32 @!p0 $0xF7A, s2;
	p2 =	seq.s32 @!p0 s5, $0x0  }
0x1f: {  	s9 =	smul.u32 $0xF7A, s1;
	s8 =	simm.s32 @!p0 $0x1BF5;
	p2 =	por !p2, p0  }
0x20: {  	[sflag:s8] =	ssyncset.s32 @!p0 $0xFFFFF086;
	s6 =	sadd.s32 @!p0 s3, s7;
	s7 =	simm.s32 @!p0 $0x108  }
0x21: {  	s3 =	sadd.s32 s3, s9;
	s6 =	sadd.s32 @!p0 $0x88, s6;
	s7 =	simm.s32 @p2 $0x1082  }
0x22: {  	[simem:s7], [sflag:s8] =	dma.local @!p0 [hbm:s6], $0xF7A  }
0x23: {  	s9 =	sor.u32 $0xD0000000, s2;
	s6 =	simm.s32 $0x108;
	_ =	swait.ge @!p0 [sflag:s8], $0x0  }
0x24: {  	s3 =	sadd.s32 $0x88, s3;
	s6 =	simm.s32 @!p1 $0x1082;
	[sflag:s4] =	ssyncset.s32 $0xFFFFF086  }
0x25: {  	[simem:s6], [sflag:s4] =	dma.local [hbm:s3], $0xF7A  }
0x26: {  	[smem:$0x3F9E] =	sst s1;
	(tag) =	ssettag s2;
	_ =	strace s9  }
0x27: {  	s1 =	sld [smem:$0x3FAE]  }
0x28: {  	s2 =	sld [smem:$0x3FAF]  }
0x29: {  	s4 =	sld [smem:$0x3FB1]  }
0x2a: {  	p0 =	seq.s32 s5, $0x0;
	s5 =	sld [smem:$0x3FB2]  }
0x2b: {  	s6 =	sld [smem:$0x3FB3]  }
0x2c: {  	s7 =	sld [smem:$0x3FB4]  }
0x2d: {  	s3 =	simm.s32 $0x108;
	s8 =	sld [smem:$0x3FB5]  }
0x2e: {  	s3 =	simm.s32 @!p0 $0x1082;
	s9 =	sld [smem:$0x3FB6]  }
0x2f: {  	lr =	sadd.s32 s0, s3;
	s0 =	sld [smem:$0x3FAD]  }
0x30: {  	s3 =	sld [smem:$0x3FB0]  }
0x31: {  	[smem:$0x3FB9] =	sst s10  }
0x32: {  	s10 =	sld [smem:$0x3FB7];
	_ =	sdelay $0x3  }
0x33: {  	p0 =	seq.s32 s10, $0x1;
	s10 =	sld [smem:$0x3FB9];
	_ =	sdelay $0x3  }
0x34: {  	[smem:$0x3FB9] =	sst s10  }
0x35: {  	s10 =	sld [smem:$0x3FB8];
	_ =	sdelay $0x3  }
0x36: {  	p1 =	seq.s32 s10, $0x1;
	s10 =	sld [smem:$0x3FB9];
	_ =	sdelay $0x3  }
0x37: {  	[smem:$0x3FB9] =	sst s10  }
0x38: {  	s10 =	sld [smem:$0x3FBA]  }
0x39: {  	_ = 	snop;
	(pc) =	sbr.ind lr, $3  }
0x3a: {  	_ = 	snop  }
0x3b: {  	_ = 	snop  }
0x3c: {  	p2 =	seq.s32 s10, $0x1;
	s10 =	sld [smem:$0x3FB9]  }
0x3d: {  	_ =	shalt  }
0x3e: {  	_ =	shalt  }
0x3f: {  	_ =	shalt  }
0x40: {  	_ =	shalt  }
0x41: {  	_ =	shalt  }
0x42: {  	_ =	shalt  }
0x43: {  	_ =	shalt  }
0x44: {  	_ =	shalt  }
0x45: {  	_ =	shalt  }
0x46: {  	_ =	shalt  }
0x47: {  	_ =	shalt  }
0x48: {  	_ =	shalt  }
0x49: {  	_ =	shalt  }
0x4a: {  	_ =	shalt  }
0x4b: {  	_ =	shalt  }
0x4c: {  	_ =	shalt  }
0x4d: {  	_ =	shalt  }
0x4e: {  	_ =	shalt  }
0x4f: {  	_ =	shalt  }
0x50: {  	_ =	shalt  }
0x51: {  	_ =	shalt  }
0x52: {  	_ =	shalt  }
0x53: {  	_ =	shalt  }
0x54: {  	_ =	shalt  }
0x55: {  	_ =	shalt  }
0x56: {  	_ =	shalt  }
0x57: {  	_ =	shalt  }
0x58: {  	_ =	shalt  }
0x59: {  	_ =	shalt  }
0x5a: {  	_ =	shalt  }
0x5b: {  	_ =	shalt  }
0x5c: {  	_ =	shalt  }
0x5d: {  	_ =	shalt  }
0x5e: {  	_ =	shalt  }
0x5f: {  	_ =	shalt  }
0x60: {  	_ =	shalt  }
0x61: {  	_ =	shalt  }
0x62: {  	_ =	shalt  }
0x63: {  	_ =	shalt  }
0x64: {  	_ =	shalt  }
0x65: {  	_ =	shalt  }
0x66: {  	_ =	shalt  }
0x67: {  	_ =	shalt  }
0x68: {  	_ =	shalt  }
0x69: {  	_ =	shalt  }
0x6a: {  	_ =	shalt  }
0x6b: {  	_ =	shalt  }
0x6c: {  	_ =	shalt  }
0x6d: {  	_ =	shalt  }
0x6e: {  	_ =	shalt  }
0x6f: {  	_ =	shalt  }
0x70: {  	_ =	shalt  }
0x71: {  	_ =	shalt  }
0x72: {  	_ =	shalt  }
0x73: {  	_ =	shalt  }
0x74: {  	_ =	shalt  }
0x75: {  	_ =	shalt  }
0x76: {  	_ =	shalt  }
0x77: {  	_ =	shalt  }
0x78: {  	_ =	shalt  }
0x79: {  	_ =	shalt  }
0x7a: {  	_ =	shalt  }
0x7b: {  	_ =	shalt  }
0x7c: {  	_ =	shalt  }
0x7d: {  	_ =	shalt  }
0x7e: {  	_ =	shalt  }
0x7f: {  	_ =	shalt  }
0x80: {  	_ =	shalt  }
0x81: {  	_ =	shalt  }
0x82: {  	_ =	shalt  }
0x83: {  	_ =	shalt  }
0x84: {  	_ =	shalt  }
0x85: {  	_ =	shalt  }
0x86: {  	_ =	shalt  }
0x87: {  	_ =	shalt  }
.Lfunc_end0:
.L_simem_size_0:
called_computation_lowered:
.L_overlay_start_0:
0x88: {  	s2 =	sld [smem:$0x3FD9]  }
0x89: {  	s3 =	sld [smem:$0x3FFE];
	_ =	sdelay $0x1  }
0x8a: {  	s1 =	srdreg.scid  }
0x8b: {  	s0 =	sand.u32 $0x1, s1  }
0x8c: {  	s17 =	sshll.u32 s0, $0xA;
	s2 =	sadd.s32 s3, s2  }
0x8d: {  	s2 =	sadd.s32 s2, s17  }
0x8e: {  	[smem:$0x3FC5] =	sst s2  }
0x8f: {  	_ = 	snop  }
0x90: {  	s2 =	sld [smem:$0x3FD0];
	(tm) =	ssettm $0x1  }
0x91: {  	s18 =	sld [smem:$0x3FFB];
	_ =	sdelay $0x3  }
0x92: {  	_ =	strace s18  }
0x93: {  	s3 =	sld [smem:$0x3FFC];
	_ =	sdelay $0x3  }
0x94: {  	_ =	strace s3  }
0x95: {  	s3 =	sld [smem:$0x3FFD];
	_ =	sdelay $0x3  }
0x96: {  	_ =	strace s3  }
0x97: {  	_ =	strace $0x8FFFFFFF  }
0x98: {  	s19 =	sld [smem:$0x3FDB];
	_ =	sdelay $0x1  }
0x99: {  	s4 =	simm.s32 $_scs_section_size  }
0x9a: {  	s5 =	simm.s32 $_size__tile_overlayer_lowered;
	s6 =	simm.s32 $_tile_overlayer_lowered  }
0x9b: {  	s22 =	simm.s32 $0x1BFF;
	s21 =	sshll.u32 s6, $0x1;
	s3 =	sadd.s32 s4, s19  }
0x9c: {  	s7 =	simm.s32 $0x0;
	s20 =	sshll.u32 s5, $0x1;
	s5 =	sadd.s32 s21, s3  }
0x9d: {  	[timem:s7], [sflag:s22] =	dma.local [hbm:s5], s20  }
0x9e: {  	_ =	swait.ge [sflag:s22], s20  }
0x9f: {  	s4 =	ssub.s32 $0x0, s20;
	[sflag:s22] =	ssyncset.done $0x0  }
0xa0: {  	[sflag:s22] =	ssyncadd.s32 s4;
	_ =	sdelay $0x1  }
0xa1: {  	s23 =	simm.s32 $0x1B8B  }
0xa2: {  	_ =	swait.ge [sflag:s23], $0x1  }
0xa3: {  	[sflag:s23] =	ssyncset.done $0x0  }
0xa4: {  	s25 =	simm.s32 $0x1B8E;
	s24 =	sld [smem:$0x3FFE];
	[sflag:s23] =	ssyncadd.s32 $0xFFFFFFFF  }
0xa5: {  	s26 =	simm.s32 $execute0_lowered;
	[smem:$0x3FD2] =	sst s25  }
0xa6: {  	s5 =	sshll.u32 s26, $0x1;
	_ =	strace $0x80000046;
	[dreg:$0x1] =	wrdreg $0xFFFFFFFF  }
0xa7: {  	s28 =	simm.s32 $_size_execute0_lowered;
	s3 =	sadd.s32 s3, s5;
	[dreg:$0x0] =	wrdreg $0x0  }
0xa8: {  	s5 =	sshll.u32 s28, $0x1;
	[dreg:$0x2] =	wrdreg s3  }
0xa9: {  	[dreg:$0x3] =	wrdreg s5  }
0xaa: {  	[dreg:$0x4] =	wrdreg $0xC0  }
0xab: {  	_ =	task [dreg:s7], $0x5FFFF  }
0xac: {  	[dreg:$0x1] =	wrdreg $0xFFFFFFFF  }
0xad: {  	[dreg:$0x0] =	wrdreg $0x60  }
0xae: {  	[dreg:$0x2] =	wrdreg s2  }
0xaf: {  	[dreg:$0x3] =	wrdreg s24  }
0xb0: {  	[dreg:$0x4] =	wrdreg $0x9  }
0xb1: {  	_ =	task.clear_ibuf [dreg:s7], $0x5FFFF;
	_ =	strace $0x90000046  }
0xb2: {  	s29 =	simm.s32 $0x9;
	_ =	strace $0x80000048  }
0xb3: {  	_ =	swait.ge [sflag:s29], $0x1  }
0xb4: {  	[sflag:s29] =	ssyncadd.s32 $0xFFFFFFFF  }
0xb5: {  	_ =	strace $0x90000048  }
0xb6: {  	_ =	sfence  }
0xb7: {  	s30 =	sld [smem:$0x0];
	_ =	sdelay $0x2  }
0xb8: {  	s31 =	sshll.u32 s1, $0xD;
	s1 =	sshrl.u32 s1, $0x2  }
0xb9: {  	s3 =	sand.u32 $0x4000, s31;
	s1 =	sadd.s32 s1, s30  }
0xba: {  	s0 =	sor.u32 s3, s0;
	s1 =	sshll.u32 s1, $0x11  }
0xbb: {  	s0 =	sor.u32 s1, s0  }
0xbc: {  	s0 =	sadd.s32 $0x8F2B, s0  }
0xbd: {  	[sflag:s0] =	ssyncadd.remote.s32 $0x1  }
0xbe: {  	_ =	sfence.sel $0xFFFF  }
0xbf: {  	[dreg:$0x0] =	wrdreg $0xFFFFFFFF;
	(pc) =	sbr.abs _section_cstart, $3  }
0xc0: {  	[dreg:$0x1] =	wrdreg $0xFFFFFFFF  }
0xc1: {  	_ =	task.clear_ibuf [dreg:s7], $0x2FFFF;
	_ =	strace $0x9FFFFFFF  }
0xc2: {  	(tm) =	ssettm $0x7FFFFFFF  }
0xc3: {  	_ =	shalt  }
tec
execute0_lowered:
.L_overlay_start_1:
0x0: {  	(tag) =	ssettag $0x1  }
0x1: {  	s3 =	rddreg [dreg:$0x0]  }
0x2: {  	s4 =	rddreg [dreg:$0x1]  }
0x3: {  	s0 =	rddreg [dreg:$0x2];
	s2 =	srdreg.scid  }
0x4: {  	s1 =	stileid.u32;
	s9 =	simm.s32 $0x2780;
	s10 =	simm.s32 $0x80  }
0x5: {  	s11 =	simm.s32 $0x400;
	s12 =	simm.s32 $0x2;
	s13 =	simm.s32 $0x0  }
0x6: {  	s5 =	sand.u32 $0x1, s2;
	s6 =	sshll.u32 s1, $0x1;
	s7 =	sshrl.u32 s1, $0x2  }
0x7: {  	s2 =	simm.s32 $0x0;
	s6 =	sor.u32 s5, s6;
	s7 =	smul.u32 $0x13C00, s7  }
0x8: {  	[smem:$0x7FF] =	sst s2;
	s5 =	ssub.s32 $0x2, s5;
	s8 =	sshll.u32 s6, $0x7  }
0x9: {  	s6 =	smul.u32 $0x1388, s6;
	s29 =	sshrl.u32 s5, $0x1;
	s8 =	sand.u32 $0x380, s8  }
0xa: {  	_ =	strace $0x80000047;
	s31 =	ssub.s32 s5, s29;
	s7 =	sor.u32 s7, s8  }
0xb: {  	s6 =	sshrl.u32 s6, $0x3;
	s8 =	simm.s32 $0x1;
	s7 =	sshrl.u32 s7, $0x3  }
0xc: {  	s3 =	sadd.s32 s3, s6;
	s6 =	smax.u32 s31, $0x1;
	s30 =	sadd.s32 s7, s4  }
0xd: {  	v0 =	vimm.f32 $0.0e+00;
	v1 =	vimm.f32 $1.000000000e+00;
	s4 =	sadd.s32 $0x9C40, s3;
	s7 =	simm.s32 $0x1388;
	s5 =	sadd.s32 $0x800, s30  }
.LBB2_1:
0xe: {  	[tilespmem:s2], [sflag:$0x1] =	stream.linear.gather [hbm4b:s3+s2], $0x1388, $0x38;
	[tilespmem:$0x4F00] =	vst v63  }
0xf: {  	s14 =	simm.s32 $0x27C0  }
0x10: {  	[tilespmem:s7], [sflag:$0x1] =	stream.linear.gather [hbm4b:s4+s2], $0x1388, $0x38;
	[tilespmem:$0x4F00] =	vst v63  }
0x11: {  	[tilespmem:s14+$0xFFFFFFC0] =	vst v0  }
0x12: {  	[tilespmem:s14+$0x30] =	vst v0  }
0x13: {  	[tilespmem:s14+$0x20] =	vst v0  }
0x14: {  	[tilespmem:s14+$0x10] =	vst v0  }
0x15: {  	[tilespmem:s14+$0x0] =	vst v0  }
0x16: {  	[tilespmem:s14+$0xFFFFFFF0] =	vst v0  }
0x17: {  	s15 =	simm.s32 $0x0;
	[tilespmem:s14+$0xFFFFFFE0] =	vst v0  }
.LBB2_2:
0x18: {  	s15 =	sadd.s32 $0x8, s15;
	[tilespmem:s14+$0xFFFFFFD0] =	vst v0;
	s14 =	sadd.s32 $0x80, s14  }
0x19: {  	[tilespmem:s14+$0xFFFFFFC0] =	vst v0;
	p0 =	slt.u32 s15, $0x268  }
0x1a: {  	[tilespmem:s14+$0x30] =	vst v0  }
.Ltmp0:
0x1b: {  	[tilespmem:s14+$0x20] =	vst v0;
	(pc) =	sbr.rel @p0 .LBB2_2-.Ltmp0, $4  }
0x1c: {  	[tilespmem:s14+$0x10] =	vst v0  }
0x1d: {  	[tilespmem:s14+$0x0] =	vst v0  }
0x1e: {  	[tilespmem:s14+$0xFFFFFFF0] =	vst v0  }
0x1f: {  	[tilespmem:s14+$0xFFFFFFE0] =	vst v0  }
0x20: {  	[tilespmem:s14+$0xFFFFFFD0] =	vst v0  }
0x21: {  	[tilespmem:$0x4E80] =	vst v0  }
0x22: {  	_ =	swait.ge [sflag:s8], $0x1388  }
0x23: {  	[sflag:s8] =	ssyncset.done $0x0  }
0x24: {  	[sflag:s8] =	ssyncadd.s32 $0xFFFFEC78  }
0x25: {  	_ =	swait.ge [sflag:s8], $0x1388  }
0x26: {  	[sflag:s8] =	ssyncset.done $0x0  }
0x27: {  	s14 =	simm.s32 $0xFFFFFFF8;
	s15 =	simm.s32 $0x40;
	[sflag:s8] =	ssyncadd.s32 $0xFFFFEC78  }
.LBB2_4:
0x28: {  	v2 =	vld [tilespmem:s15+$0xFFFFFFC0];
	_ =	sdelay $0x7  }
0x29: {  	[tilespmem:v2+s9+$0x0] =	vst.idx.add.f32.msk $0xffff, v1  }
0x2a: {  	v2 =	vld [tilespmem:s15+$0xFFFFFFD0];
	_ =	sdelay $0x7  }
0x2b: {  	[tilespmem:v2+s9+$0x0] =	vst.idx.add.f32.msk $0xffff, v1  }
0x2c: {  	v2 =	vld [tilespmem:s15+$0xFFFFFFE0];
	_ =	sdelay $0x7  }
0x2d: {  	[tilespmem:v2+s9+$0x0] =	vst.idx.add.f32.msk $0xffff, v1  }
0x2e: {  	v2 =	vld [tilespmem:s15+$0xFFFFFFF0];
	_ =	sdelay $0x7  }
0x2f: {  	[tilespmem:v2+s9+$0x0] =	vst.idx.add.f32.msk $0xffff, v1  }
0x30: {  	v2 =	vld [tilespmem:s15+$0x0];
	_ =	sdelay $0x7  }
0x31: {  	[tilespmem:v2+s9+$0x0] =	vst.idx.add.f32.msk $0xffff, v1  }
0x32: {  	v2 =	vld [tilespmem:s15+$0x10];
	_ =	sdelay $0x7  }
0x33: {  	[tilespmem:v2+s9+$0x0] =	vst.idx.add.f32.msk $0xffff, v1  }
0x34: {  	v2 =	vld [tilespmem:s15+$0x20];
	_ =	sdelay $0x7  }
0x35: {  	[tilespmem:v2+s9+$0x0] =	vst.idx.add.f32.msk $0xffff, v1  }
0x36: {  	v2 =	vld [tilespmem:s15+$0x30];
	_ =	sdelay $0x1  }
0x37: {  	s14 =	sadd.s32 $0x8, s14  }
0x38: {  	p0 =	slt.u32 s14, $0x268  }
.Ltmp1:
0x39: {  	_ = 	snop;
	(pc) =	sbr.rel @p0 .LBB2_4-.Ltmp1, $2  }
0x3a: {  	_ =	sdelay $0x2  }
0x3b: {  	s15 =	sadd.s32 $0x80, s15;
	[tilespmem:v2+s9+$0x0] =	vst.idx.add.f32.msk $0xffff, v1  }
0x3c: {  	v2 =	vld [tilespmem:$0x2700];
	_ =	sdelay $0x5  }
0x3d: {  	s13 =	sadd.s32 $0x1, s13  }
0x3e: {  	p0 =	sne.s32 s13, s6  }
.Ltmp2:
0x3f: {  	[tilespmem:v2+s9+$0x0] =	vst.idx.add.f32.msk $0xffff, v1;
	(pc) =	sbr.rel @p0 .LBB2_1-.Ltmp2, $4  }
0x40: {  	[hbm4b:s5+s10] =	stream.strided.scatter [tilespmem:s9], [sflag:$0x2], $0x2780, s11, s10, $0x38;
	[tilespmem:$0x4F00] =	vst v63  }
0x41: {  	_ =	swait.ge [sflag:s12], $0x2780  }
0x42: {  	[sflag:s12] =	ssyncset.done $0x0  }
0x43: {  	[sflag:s12] =	ssyncadd.s32 $0xFFFFD880  }
0x44: {  	_ =	sfence.sel $0x180000  }
0x45: {  	[bflag:$0x0] =	sbarrier.arrive $0xFFFF  }
0x46: {  	p0 =	sne.s32 s1, $0x0;
	_ =	strace $0x90000047  }
0x47: {  	s0 =	sadd.s32 @!p0 $0x100000, s0;
	[bflag:$0x2] =	sbarrier.arrive $0xFFFF  }
0x48: {  	[sflag:s0] =	ssyncadd.tile.s32 @!p0 $0x1;
	_ =	shalt  }
.Lfunc_end2:
_tile_overlayer_lowered:
.L_overlay_start_2:
0x49: {  	(tag) =	ssettag $0x2  }
0x4a: {  	s0 =	rddreg [dreg:$0x0];
	s2 =	stileid.u32  }
0x4b: {  	s1 =	rddreg [dreg:$0x1];
	p0 =	sne.s32 s2, $0x0  }
0x4c: {  	s3 =	rddreg [dreg:$0x2];
	[bflag:$0x3] =	sbarrier.arrive $0xFFFF;
	s2 =	simm.s32 @!p0 $0x1C02  }
0x4d: {  	[timem:s3], [sflag:s2] =	dma.local @!p0 [hbm:s0], s1  }
0x4e: {  	s0 =	simm.s32 @!p0 $0x2  }
0x4f: {  	_ =	swait.ge @!p0 [sflag:s0], s1  }
0x50: {  	s1 =	ssub.s32 @!p0 $0x0, s1;
	[sflag:s0] =	ssyncset.done @!p0 $0x0  }
0x51: {  	[sflag:s0] =	ssyncadd.s32 @!p0 s1  }
0x52: {  	[bflag:$0x3] =	sbarrier.arrive $0xFFFF  }
0x53: {  	_ =	shalt  }

</sc_bundles>
